<compile_context>
chip_gen: v7x
topology: tpu7x:2x2x1
jax: 0.10.2.dev20260603
libtpu: 0.0.44.dev20260713+nightly
codegen_flags: <defaults>
</compile_context>

<pallas_src>
import functools
import math

import jax
import jax.numpy as jnp
from jax.experimental import pallas as pl
from jax.experimental.pallas import tpu as pltpu
from jax.experimental.pallas import tpu_sc as plsc

_S = 2048
_D = 1024
_V = 32000
_CHUNK = 256
_NCHUNK = _S // _CHUNK
_WIN = 768
_SCALE = 1.0 / math.sqrt(_D)
_UNITS = 32
_TPU_TOK = _S // _UNITS
_TBLK = 32
_TNBLK = _TPU_TOK // _TBLK
_CB = 1280


def _emb_gather(x, emb_table):
    idx = x.reshape(1, _S)
    mesh = plsc.VectorSubcoreMesh(core_axis_name="c", subcore_axis_name="s")

    @functools.partial(
        pl.kernel,
        out_type=jax.ShapeDtypeStruct((_S, _D), emb_table.dtype),
        mesh=mesh,
        scratch_types=[
            pltpu.VMEM((1, _S), jnp.int32),
            pltpu.VMEM((_TBLK, _D), jnp.float32),
            pltpu.VMEM((_TBLK, _D), jnp.float32),
            pltpu.SemaphoreType.DMA,
            pltpu.SemaphoreType.DMA,
            pltpu.SemaphoreType.DMA,
            pltpu.SemaphoreType.DMA,
            pltpu.SemaphoreType.DMA,
        ],
    )
    def gather_kernel(
        tbl_hbm, idx_hbm, out_hbm, idx_vmem, buf0, buf1,
        isem, gsem0, gsem1, osem0, osem1,
    ):
        u = jax.lax.axis_index("c") * 16 + jax.lax.axis_index("s")
        base = u * _TPU_TOK
        pltpu.async_copy(idx_hbm, idx_vmem, isem).wait()
        bufs = (buf0, buf1)
        gsems = (gsem0, gsem1)
        osems = (osem0, osem1)

        def gstart(j):
            return pltpu.async_copy(
                tbl_hbm.at[idx_vmem.at[0, pl.ds(base + j * _TBLK, _TBLK)]],
                bufs[j % 2],
                gsems[j % 2],
            )

        def ostart(j):
            return pltpu.async_copy(
                bufs[j % 2],
                out_hbm.at[pl.ds(base + j * _TBLK, _TBLK), :],
                osems[j % 2],
            )

        g = [None] * _TNBLK
        o = [None] * _TNBLK
        g[0] = gstart(0)
        g[1] = gstart(1)
        for j in range(_TNBLK):
            g[j].wait()
            o[j] = ostart(j)
            if j + 2 < _TNBLK:
                o[j].wait()
                g[j + 2] = gstart(j + 2)
        o[_TNBLK - 2].wait()
        o[_TNBLK - 1].wait()

    return gather_kernel(emb_table, idx)


def _dot_t(a, b):
    return jax.lax.dot_general(
        a.astype(jnp.bfloat16),
        b.astype(jnp.bfloat16),
        (((1,), (1,)), ((), ())),
        preferred_element_type=jnp.float32,
    )


def _attn_body(
    embc_ref, wq_ref, bq_ref, wk_ref, bk_ref, wv_ref, bv_ref,
    wo_ref, bo_ref, g_ref, b_ref, h_ref, kbuf, vbuf, halo_ref,
):
    c = pl.program_id(0)

    @pl.when(c == 0)
    def _():
        vbuf[...] = jnp.zeros((_S, _D), jnp.float32)
        halo_ref[...] = jnp.zeros((8, _D), jnp.float32)

    prev = halo_ref[...]
    cur = embc_ref[...]
    halo_ref[...] = cur[_CHUNK - 8 :, :]
    full = jnp.concatenate([prev, cur], axis=0)
    ctx = (
        full[8:]
        + full[7 : 7 + _CHUNK]
        + full[6 : 6 + _CHUNK]
        + full[5 : 5 + _CHUNK]
    )
    q = _dot_t(ctx, wq_ref[...]) + bq_ref[...]
    k = _dot_t(ctx, wk_ref[...]) + bk_ref[...]
    v = _dot_t(ctx, wv_ref[...]) + bv_ref[...]
    kbuf[pl.ds(c * _CHUNK, _CHUNK), :] = k
    vbuf[pl.ds(c * _CHUNK, _CHUNK), :] = v

    wstart = jnp.maximum(c * _CHUNK - (_WIN - _CHUNK), 0)
    wstart_al = pl.multiple_of(wstart, _CHUNK)
    kw = kbuf[pl.ds(wstart_al, _WIN), :]
    vw = vbuf[pl.ds(wstart_al, _WIN), :]

    qpos = c * _CHUNK + jax.lax.broadcasted_iota(jnp.int32, (_CHUNK, 1), 0)
    wpos = wstart + jax.lax.broadcasted_iota(jnp.int32, (_CHUNK, _WIN), 1)
    sw = _dot_t(q, kw) * _SCALE
    sw = jnp.where(wpos <= qpos, sw, -jnp.inf)

    g0_on = wstart > 0
    g1_on = wstart > 1024
    s0 = jnp.where(
        g0_on,
        jnp.sum(q * kbuf[0:1, :], axis=1, keepdims=True) * _SCALE,
        -jnp.inf,
    )
    s1 = jnp.where(
        g1_on,
        jnp.sum(q * kbuf[1024:1025, :], axis=1, keepdims=True) * _SCALE,
        -jnp.inf,
    )
    v0 = vbuf[0:1, :]
    v1 = jnp.where(g1_on, vbuf[1024:1025, :], 0.0)

    m = jnp.maximum(jnp.max(sw, axis=1, keepdims=True), jnp.maximum(s0, s1))
    ew = jnp.exp(sw - m)
    e0 = jnp.exp(s0 - m)
    e1 = jnp.exp(s1 - m)
    denom = jnp.sum(ew, axis=1, keepdims=True) + e0 + e1
    att = (
        jnp.dot(
            ew.astype(jnp.bfloat16),
            vw.astype(jnp.bfloat16),
            preferred_element_type=jnp.float32,
        )
        + e0 * v0
        + e1 * v1
    ) / denom

    o = _dot_t(att, wo_ref[...]) + bo_ref[...]
    mean = jnp.mean(o, axis=1, keepdims=True)
    var = jnp.mean((o - mean) ** 2, axis=1, keepdims=True)
    h = (o - mean) * jax.lax.rsqrt(var + 1e-5) * g_ref[...] + b_ref[...]
    h_ref[...] = h.astype(jnp.bfloat16)


def _attn_stage(emb, Wq, bq, Wk, bk, Wv, bv, Wo, bo, gamma, beta):
    full_w = pl.BlockSpec((_D, _D), lambda c: (0, 0))
    row_w = pl.BlockSpec((1, _D), lambda c: (0, 0))
    return pl.pallas_call(
        _attn_body,
        grid=(_NCHUNK,),
        in_specs=[
            pl.BlockSpec((_CHUNK, _D), lambda c: (c, 0)),
            full_w, row_w, full_w, row_w, full_w, row_w, full_w, row_w,
            row_w, row_w,
        ],
        out_specs=pl.BlockSpec((_CHUNK, _D), lambda c: (c, 0)),
        out_shape=jax.ShapeDtypeStruct((_S, _D), jnp.bfloat16),
        scratch_shapes=[
            pltpu.VMEM((_S, _D), jnp.float32),
            pltpu.VMEM((_S, _D), jnp.float32),
            pltpu.VMEM((8, _D), jnp.float32),
        ],
        compiler_params=pltpu.CompilerParams(
            dimension_semantics=("arbitrary",),
            vmem_limit_bytes=100 * 1024 * 1024,
        ),
    )(
        emb, Wq, bq.reshape(1, _D), Wk, bk.reshape(1, _D),
        Wv, bv.reshape(1, _D), Wo, bo.reshape(1, _D),
        gamma.reshape(1, _D), beta.reshape(1, _D),
    )


def _vocab_body(h_ref, w_ref, b_ref, out_ref):
    acc = jax.lax.dot_general(
        h_ref[...],
        w_ref[...].astype(jnp.bfloat16),
        (((1,), (1,)), ((), ())),
        preferred_element_type=jnp.float32,
    )
    out_ref[...] = acc + b_ref[...]


def _vocab_stage(h, Wout, bout):
    return pl.pallas_call(
        _vocab_body,
        grid=(_V // _CB,),
        in_specs=[
            pl.BlockSpec((_S, _D), lambda j: (0, 0)),
            pl.BlockSpec((_CB, _D), lambda j: (j, 0)),
            pl.BlockSpec((1, _CB), lambda j: (0, j)),
        ],
        out_specs=pl.BlockSpec((_S, _CB), lambda j: (0, j)),
        out_shape=jax.ShapeDtypeStruct((_S, _V), jnp.float32),
        compiler_params=pltpu.CompilerParams(
            dimension_semantics=("arbitrary",),
            vmem_limit_bytes=100 * 1024 * 1024,
        ),
    )(h, Wout, bout.reshape(1, _V))


def kernel(x, emb_table, Wq, bq, Wk, bk, Wv, bv, Wo, bo, gamma, beta, Wout, bout):
    emb = _emb_gather(x, emb_table)
    h = _attn_stage(emb, Wq, bq, Wk, bk, Wv, bv, Wo, bo, gamma, beta)
    logits = _vocab_stage(h, Wout, bout)
    return logits.reshape(1, _S, _V)

# --- scband reference (transcript-rebuilt; emitter-appended) ---
"""Pipeline reference for scband-sparse-attention-model-7834020348442 (READ-ONLY COPY).

The authoritative reference and input builder live on the scoring server;
editing this copy changes nothing except your own understanding.
"""

import math
import jax, jax.numpy as jnp
import numpy as np

B, S, DIM, VOCAB = 1, 2048, 1024, 32000
CHUNK, LCTX = 256, 4
LWIN, GSTRIDE = 512, 1024


def setup_inputs(seed: int = 0):
    key = jax.random.key(seed)
    ks = jax.random.split(key, 8)
    s = 0.02
    return {
        'x': jax.random.randint(ks[0], (B, S), 0, VOCAB, dtype=jnp.int32),
        'emb_table': jax.random.normal(ks[1], (VOCAB, DIM), jnp.float32) * s,
        'Wq': jax.random.normal(ks[2], (DIM, DIM), jnp.float32) * s,
        'bq': jnp.zeros((DIM,), jnp.float32),
        'Wk': jax.random.normal(ks[3], (DIM, DIM), jnp.float32) * s,
        'bk': jnp.zeros((DIM,), jnp.float32),
        'Wv': jax.random.normal(ks[4], (DIM, DIM), jnp.float32) * s,
        'bv': jnp.zeros((DIM,), jnp.float32),
        'Wo': jax.random.normal(ks[5], (DIM, DIM), jnp.float32) * s,
        'bo': jnp.zeros((DIM,), jnp.float32),
        'gamma': jnp.ones((DIM,), jnp.float32),
        'beta': jnp.zeros((DIM,), jnp.float32),
        'Wout': jax.random.normal(ks[6], (VOCAB, DIM), jnp.float32) * s,
        'bout': jnp.zeros((VOCAB,), jnp.float32),
    }


def _forward(x, emb_table, Wq, bq, Wk, bk, Wv, bv, Wo, bo, gamma, beta, Wout, bout):
    # embedding + causal local-context (sum of shifted copies)
    emb = jnp.take(emb_table, x, axis=0)
    ctx = emb
    for off in range(1, LCTX):
        ctx = ctx + jnp.pad(emb[:, :S - off, :], ((0, 0), (off, 0), (0, 0)))
    scale = 1.0 / math.sqrt(DIM)
    outs = []
    cached_k = None
    cached_v = None
    cached_pos = None
    total_seen = 0
    for i in range(0, S, CHUNK):
        chunk = ctx[:, i:i + CHUNK, :]
        q = chunk @ Wq.T + bq
        nk = chunk @ Wk.T + bk
        nv = chunk @ Wv.T + bv
        new_pos = np.arange(total_seen, total_seen + CHUNK)
        if cached_k is None:
            fk, fv, fpos = nk, nv, new_pos
        else:
            fk = jnp.concatenate([cached_k, nk], axis=1)
            fv = jnp.concatenate([cached_v, nv], axis=1)
            fpos = np.concatenate([cached_pos, new_pos])
        scores = jnp.einsum('bqd,bkd->bqk', q, fk) * scale
        mask = jnp.asarray(fpos[None, :] > new_pos[:, None])
        scores = jnp.where(mask[None, :, :], -jnp.inf, scores)
        w = jax.nn.softmax(scores, axis=-1)
        att = jnp.einsum('bqk,bkd->bqd', w, fv)
        outs.append(att @ Wo.T + bo)
        total_seen += CHUNK
        # rebuild sparse KV cache: local window + global stride tokens
        local_start = max(0, total_seen - LWIN)
        keep = (fpos >= local_start) | (fpos % GSTRIDE == 0)
        keep_idx = np.nonzero(keep)[0]
        if keep_idx.size == 0:
            keep_idx = np.array([fpos.shape[0] - 1])
        cached_k = fk[:, keep_idx, :]
        cached_v = fv[:, keep_idx, :]
        cached_pos = fpos[keep_idx]
    out = jnp.concatenate(outs, axis=1)
    mean = jnp.mean(out, axis=-1, keepdims=True)
    var = jnp.var(out, axis=-1, keepdims=True)
    h = (out - mean) / jnp.sqrt(var + 1e-5) * gamma + beta
    return h @ Wout.T + bout


def reference(x, emb_table, Wq, bq, Wk, bk, Wv, bv, Wo, bo, gamma, beta, Wout, bout):
    return _forward(x, emb_table, Wq, bq, Wk, bk, Wv, bv, Wo, bo, gamma, beta, Wout, bout)

if __name__ == "__main__":
    import jax
    _d = setup_inputs()
    print(jax.jit(kernel)(*tuple(_d.values())))

</pallas_src>

<mosaic_0001>
#map = affine_map<(d0, d1) -> (0, 0)>
module attributes {stable_mosaic.version = 14 : i64} {
  func.func @gather_kernel(%arg0: i32, %arg1: i32, %arg2: memref<32000x1024xf32, #tpu.memory_space<hbm>>, %arg3: memref<1x2048xi32, #tpu.memory_space<hbm>>, %arg4: memref<2048x1024xf32, #tpu.memory_space<hbm>>, %arg5: memref<1x2048xi32, #tpu.memory_space<vmem>>, %arg6: memref<32x1024xf32, #tpu.memory_space<vmem>>, %arg7: memref<32x1024xf32, #tpu.memory_space<vmem>>, %arg8: memref<!tpu.dma_semaphore, #tpu.memory_space<semaphore_mem>>, %arg9: memref<!tpu.dma_semaphore, #tpu.memory_space<semaphore_mem>>, %arg10: memref<!tpu.dma_semaphore, #tpu.memory_space<semaphore_mem>>, %arg11: memref<!tpu.dma_semaphore, #tpu.memory_space<semaphore_mem>>, %arg12: memref<!tpu.dma_semaphore, #tpu.memory_space<semaphore_mem>>) attributes {dimension_semantics = [#tpu.dimension_semantics<core_parallel>, #tpu.dimension_semantics<subcore_parallel>], iteration_bounds = array<i64: 2, 16>, scalar_prefetch = 0 : i64, scratch_operands = 8 : i64, tpu.core_type = #tpu.core_type<sc_vector_subcore>, window_params = [{transform_indices = #map}, {transform_indices = #map}, {transform_indices = #map}]} {
    %mul3A = arith.constant 16 : i32
    %mul3A_0 = arith.muli %arg0, %mul3A : i32
    %add3A = arith.addi %mul3A_0, %arg1 : i32
    %mul3A_1 = arith.constant 64 : i32
    %mul3A_2 = arith.muli %add3A, %mul3A_1 : i32
    tpu.enqueue_dma source(%arg3 : memref<1x2048xi32, #tpu.memory_space<hbm>>) target(%arg5 : memref<1x2048xi32, #tpu.memory_space<vmem>>) target_semaphore(%arg8 : memref<!tpu.dma_semaphore, #tpu.memory_space<semaphore_mem>>)
    tpu.wait_dma2 semaphore(%arg8 : memref<!tpu.dma_semaphore, #tpu.memory_space<semaphore_mem>>) src(%arg3 : memref<1x2048xi32, #tpu.memory_space<hbm>>) dst(%arg5 : memref<1x2048xi32, #tpu.memory_space<vmem>>)
    %add3A_3 = arith.constant 0 : i32
    %add3A_4 = arith.addi %mul3A_2, %add3A_3 : i32
    %dma_start3A = arith.constant 0 : i32
    %dma_start3A_5 = tpu.memref_slice %arg5[%dma_start3A, %add3A_4] : memref<1x2048xi32, #tpu.memory_space<vmem>> -> memref<1x32xi32, #tpu.memory_space<vmem>>
    %dma_start3A_6 = tpu.memref_squeeze %dma_start3A_5 : memref<1x32xi32, #tpu.memory_space<vmem>> -> memref<32xi32, #tpu.memory_space<vmem>>
    %dma_start3A_7 = arith.constant 0 : i32
    %dma_start3A_8 = arith.constant 0 : i32
    %dma_start3A_9 = tpu.memref_slice %arg2[%dma_start3A_7, %dma_start3A_8] : memref<32000x1024xf32, #tpu.memory_space<hbm>> -> memref<32000x1024xf32, #tpu.memory_space<hbm>>
    tpu.enqueue_indirect_dma source(%dma_start3A_9 : memref<32000x1024xf32, #tpu.memory_space<hbm>>) target(%arg6 : memref<32x1024xf32, #tpu.memory_space<vmem>>) offsets(%dma_start3A_6 : memref<32xi32, #tpu.memory_space<vmem>>) semaphore(%arg9 : memref<!tpu.dma_semaphore, #tpu.memory_space<semaphore_mem>>)
    %add3A_10 = arith.constant 32 : i32
    %add3A_11 = arith.addi %mul3A_2, %add3A_10 : i32
    %dma_start3A_12 = arith.constant 0 : i32
    %dma_start3A_13 = tpu.memref_slice %arg5[%dma_start3A_12, %add3A_11] : memref<1x2048xi32, #tpu.memory_space<vmem>> -> memref<1x32xi32, #tpu.memory_space<vmem>>
    %dma_start3A_14 = tpu.memref_squeeze %dma_start3A_13 : memref<1x32xi32, #tpu.memory_space<vmem>> -> memref<32xi32, #tpu.memory_space<vmem>>
    %dma_start3A_15 = arith.constant 0 : i32
    %dma_start3A_16 = arith.constant 0 : i32
    %dma_start3A_17 = tpu.memref_slice %arg2[%dma_start3A_15, %dma_start3A_16] : memref<32000x1024xf32, #tpu.memory_space<hbm>> -> memref<32000x1024xf32, #tpu.memory_space<hbm>>
    tpu.enqueue_indirect_dma source(%dma_start3A_17 : memref<32000x1024xf32, #tpu.memory_space<hbm>>) target(%arg7 : memref<32x1024xf32, #tpu.memory_space<vmem>>) offsets(%dma_start3A_14 : memref<32xi32, #tpu.memory_space<vmem>>) semaphore(%arg10 : memref<!tpu.dma_semaphore, #tpu.memory_space<semaphore_mem>>)
    %dma_wait3A = arith.constant 0 : i32
    %dma_wait3A_18 = tpu.memref_slice %arg5[%dma_wait3A, %add3A_4] : memref<1x2048xi32, #tpu.memory_space<vmem>> -> memref<1x32xi32, #tpu.memory_space<vmem>>
    %dma_wait3A_19 = tpu.memref_squeeze %dma_wait3A_18 : memref<1x32xi32, #tpu.memory_space<vmem>> -> memref<32xi32, #tpu.memory_space<vmem>>
    %dma_wait3A_20 = arith.constant 0 : i32
    %dma_wait3A_21 = arith.constant 0 : i32
    %dma_wait3A_22 = tpu.memref_slice %arg2[%dma_wait3A_20, %dma_wait3A_21] : memref<32000x1024xf32, #tpu.memory_space<hbm>> -> memref<32000x1024xf32, #tpu.memory_space<hbm>>
    tpu.wait_indirect_dma semaphore(%arg9 : memref<!tpu.dma_semaphore, #tpu.memory_space<semaphore_mem>>) src(%dma_wait3A_22 : memref<32000x1024xf32, #tpu.memory_space<hbm>>) dst(%arg6 : memref<32x1024xf32, #tpu.memory_space<vmem>>)
    %add3A_23 = arith.constant 0 : i32
    %add3A_24 = arith.addi %mul3A_2, %add3A_23 : i32
    %dma_start3A_25 = arith.constant 0 : i32
    %dma_start3A_26 = tpu.memref_slice %arg4[%add3A_24, %dma_start3A_25] : memref<2048x1024xf32, #tpu.memory_space<hbm>> -> memref<32x1024xf32, #tpu.memory_space<hbm>>
    %dma_start3A_27 = arith.constant 0 : i32
    %dma_start3A_28 = tpu.memref_slice %arg4[%add3A_24, %dma_start3A_27] : memref<2048x1024xf32, #tpu.memory_space<hbm>> -> memref<32x1024xf32, #tpu.memory_space<hbm>>
    tpu.enqueue_dma source(%arg6 : memref<32x1024xf32, #tpu.memory_space<vmem>>) target(%dma_start3A_28 : memref<32x1024xf32, #tpu.memory_space<hbm>>) target_semaphore(%arg11 : memref<!tpu.dma_semaphore, #tpu.memory_space<semaphore_mem>>)
    %dma_wait3A_29 = arith.constant 0 : i32
    %dma_wait3A_30 = tpu.memref_slice %arg5[%dma_wait3A_29, %add3A_11] : memref<1x2048xi32, #tpu.memory_space<vmem>> -> memref<1x32xi32, #tpu.memory_space<vmem>>
    %dma_wait3A_31 = tpu.memref_squeeze %dma_wait3A_30 : memref<1x32xi32, #tpu.memory_space<vmem>> -> memref<32xi32, #tpu.memory_space<vmem>>
    %dma_wait3A_32 = arith.constant 0 : i32
    %dma_wait3A_33 = arith.constant 0 : i32
    %dma_wait3A_34 = tpu.memref_slice %arg2[%dma_wait3A_32, %dma_wait3A_33] : memref<32000x1024xf32, #tpu.memory_space<hbm>> -> memref<32000x1024xf32, #tpu.memory_space<hbm>>
    tpu.wait_indirect_dma semaphore(%arg10 : memref<!tpu.dma_semaphore, #tpu.memory_space<semaphore_mem>>) src(%dma_wait3A_34 : memref<32000x1024xf32, #tpu.memory_space<hbm>>) dst(%arg7 : memref<32x1024xf32, #tpu.memory_space<vmem>>)
    %add3A_35 = arith.constant 32 : i32
    %add3A_36 = arith.addi %mul3A_2, %add3A_35 : i32
    %dma_start3A_37 = arith.constant 0 : i32
    %dma_start3A_38 = tpu.memref_slice %arg4[%add3A_36, %dma_start3A_37] : memref<2048x1024xf32, #tpu.memory_space<hbm>> -> memref<32x1024xf32, #tpu.memory_space<hbm>>
    %dma_start3A_39 = arith.constant 0 : i32
    %dma_start3A_40 = tpu.memref_slice %arg4[%add3A_36, %dma_start3A_39] : memref<2048x1024xf32, #tpu.memory_space<hbm>> -> memref<32x1024xf32, #tpu.memory_space<hbm>>
    tpu.enqueue_dma source(%arg7 : memref<32x1024xf32, #tpu.memory_space<vmem>>) target(%dma_start3A_40 : memref<32x1024xf32, #tpu.memory_space<hbm>>) target_semaphore(%arg12 : memref<!tpu.dma_semaphore, #tpu.memory_space<semaphore_mem>>)
    %dma_wait3A_41 = arith.constant 0 : i32
    %dma_wait3A_42 = tpu.memref_slice %arg4[%add3A_24, %dma_wait3A_41] : memref<2048x1024xf32, #tpu.memory_space<hbm>> -> memref<32x1024xf32, #tpu.memory_space<hbm>>
    %dma_wait3A_43 = arith.constant 0 : i32
    %dma_wait3A_44 = tpu.memref_slice %arg4[%add3A_24, %dma_wait3A_43] : memref<2048x1024xf32, #tpu.memory_space<hbm>> -> memref<32x1024xf32, #tpu.memory_space<hbm>>
    tpu.wait_dma2 semaphore(%arg11 : memref<!tpu.dma_semaphore, #tpu.memory_space<semaphore_mem>>) src(%arg6 : memref<32x1024xf32, #tpu.memory_space<vmem>>) dst(%dma_wait3A_44 : memref<32x1024xf32, #tpu.memory_space<hbm>>)
    %dma_wait3A_45 = arith.constant 0 : i32
    %dma_wait3A_46 = tpu.memref_slice %arg4[%add3A_36, %dma_wait3A_45] : memref<2048x1024xf32, #tpu.memory_space<hbm>> -> memref<32x1024xf32, #tpu.memory_space<hbm>>
    %dma_wait3A_47 = arith.constant 0 : i32
    %dma_wait3A_48 = tpu.memref_slice %arg4[%add3A_36, %dma_wait3A_47] : memref<2048x1024xf32, #tpu.memory_space<hbm>> -> memref<32x1024xf32, #tpu.memory_space<hbm>>
    tpu.wait_dma2 semaphore(%arg12 : memref<!tpu.dma_semaphore, #tpu.memory_space<semaphore_mem>>) src(%arg7 : memref<32x1024xf32, #tpu.memory_space<vmem>>) dst(%dma_wait3A_48 : memref<32x1024xf32, #tpu.memory_space<hbm>>)
    return
  }
}

module attributes {stable_mosaic.version = 14 : i64} {
  func.func @_vocab_body(%arg0: i32, %arg1: memref<2048x1024xbf16, #tpu.memory_space<vmem>>, %arg2: memref<1280x1024xf32, #tpu.memory_space<vmem>>, %arg3: memref<1x1280xf32, #tpu.memory_space<vmem>>, %arg4: memref<2048x1280xf32, #tpu.memory_space<vmem>>) attributes {dimension_semantics = [#tpu.dimension_semantics<arbitrary>], iteration_bounds = array<i64: 25>, scalar_prefetch = 0 : i64, scratch_operands = 0 : i64, tpu.core_type = #tpu.core_type<tc>, window_params = [{pipeline_mode = #tpu.pipeline_mode<synchronous>, transform_indices = @transform_0, window_bounds = array<i64: 2048, 1024>}, {transform_indices = @transform_1, window_bounds = array<i64: 1280, 1024>}, {transform_indices = @transform_2, window_bounds = array<i64: 1, 1280>}, {transform_indices = @transform_3, window_bounds = array<i64: 2048, 1280>}]} {
    %get3A = arith.constant 0 : index
    %get3A_0 = arith.constant 0 : index
    %get3A_1 = vector.load %arg1[%get3A, %get3A_0] : memref<2048x1024xbf16, #tpu.memory_space<vmem>>, vector<2048x1024xbf16>
    %get3A_2 = arith.constant 0 : index
    %get3A_3 = arith.constant 0 : index
    %get3A_4 = vector.load %arg2[%get3A_2, %get3A_3] : memref<1280x1024xf32, #tpu.memory_space<vmem>>, vector<1280x1024xf32>
    %convert_element_type3A = arith.truncf %get3A_4 : vector<1280x1024xf32> to vector<1280x1024xbf16>
    %dot_general3A = arith.constant dense<0.000000e+00> : vector<2048x1280xf32>
    %dot_general3A_5 = tpu.matmul %get3A_1, %convert_element_type3A, %dot_general3A {dimension_numbers = #tpu.dot_dimension_numbers<[1], [1], [0], [0], [0, 0, 1, 0], [], []>, transpose_lhs_hint = false} : vector<2048x1024xbf16>, vector<1280x1024xbf16>, vector<2048x1280xf32> -> vector<2048x1280xf32>
    %get3A_6 = arith.constant 0 : index
    %get3A_7 = arith.constant 0 : index
    %get3A_8 = vector.load %arg3[%get3A_6, %get3A_7] : memref<1x1280xf32, #tpu.memory_space<vmem>>, vector<1x1280xf32>
    %add3A = vector.broadcast %get3A_8 : vector<1x1280xf32> to vector<2048x1280xf32>
    %add3A_9 = arith.addf %dot_general3A_5, %add3A : vector<2048x1280xf32>
    %swap3A = arith.constant 0 : index
    %swap3A_10 = arith.constant 0 : index
    %swap3A_11 = vector.load %arg4[%swap3A, %swap3A_10] : memref<2048x1280xf32, #tpu.memory_space<vmem>>, vector<2048x1280xf32>
    tpu.vector_store %arg4[%swap3A, %swap3A_10], %add3A_9 {strides = array<i32>} : memref<2048x1280xf32, #tpu.memory_space<vmem>>, vector<2048x1280xf32>,
    return
  }
  func.func @transform_0(%arg0: i32) -> (i32, i32) {
    %c0_i32 = arith.constant 0 : i32
    %c0_i32_0 = arith.constant 0 : i32
    %c0_i32_1 = arith.constant 0 : i32
    return %c0_i32, %c0_i32_0 : i32, i32
  }
  func.func @transform_1(%arg0: i32) -> (i32, i32) {
    %c0_i32 = arith.constant 0 : i32
    %c0_i32_0 = arith.constant 0 : i32
    return %arg0, %c0_i32 : i32, i32
  }
  func.func @transform_2(%arg0: i32) -> (i32, i32) {
    %c0_i32 = arith.constant 0 : i32
    %c0_i32_0 = arith.constant 0 : i32
    return %c0_i32, %arg0 : i32, i32
  }
  func.func @transform_3(%arg0: i32) -> (i32, i32) {
    %c0_i32 = arith.constant 0 : i32
    %c0_i32_0 = arith.constant 0 : i32
    return %c0_i32, %arg0 : i32, i32
  }
}

module attributes {stable_mosaic.version = 14 : i64} {
  func.func @_attn_body(%arg0: i32, %arg1: memref<256x1024xf32, #tpu.memory_space<vmem>>, %arg2: memref<1024x1024xf32, #tpu.memory_space<vmem>>, %arg3: memref<1x1024xf32, #tpu.memory_space<vmem>>, %arg4: memref<1024x1024xf32, #tpu.memory_space<vmem>>, %arg5: memref<1x1024xf32, #tpu.memory_space<vmem>>, %arg6: memref<1024x1024xf32, #tpu.memory_space<vmem>>, %arg7: memref<1x1024xf32, #tpu.memory_space<vmem>>, %arg8: memref<1024x1024xf32, #tpu.memory_space<vmem>>, %arg9: memref<1x1024xf32, #tpu.memory_space<vmem>>, %arg10: memref<1x1024xf32, #tpu.memory_space<vmem>>, %arg11: memref<1x1024xf32, #tpu.memory_space<vmem>>, %arg12: memref<256x1024xbf16, #tpu.memory_space<vmem>>, %arg13: memref<2048x1024xf32, #tpu.memory_space<vmem>>, %arg14: memref<2048x1024xf32, #tpu.memory_space<vmem>>, %arg15: memref<8x1024xf32, #tpu.memory_space<vmem>>) attributes {dimension_semantics = [#tpu.dimension_semantics<arbitrary>], iteration_bounds = array<i64: 8>, scalar_prefetch = 0 : i64, scratch_operands = 3 : i64, tpu.core_type = #tpu.core_type<tc>, window_params = [{transform_indices = @transform_0, window_bounds = array<i64: 256, 1024>}, {pipeline_mode = #tpu.pipeline_mode<synchronous>, transform_indices = @transform_1, window_bounds = array<i64: 1024, 1024>}, {pipeline_mode = #tpu.pipeline_mode<synchronous>, transform_indices = @transform_2, window_bounds = array<i64: 1, 1024>}, {pipeline_mode = #tpu.pipeline_mode<synchronous>, transform_indices = @transform_3, window_bounds = array<i64: 1024, 1024>}, {pipeline_mode = #tpu.pipeline_mode<synchronous>, transform_indices = @transform_4, window_bounds = array<i64: 1, 1024>}, {pipeline_mode = #tpu.pipeline_mode<synchronous>, transform_indices = @transform_5, window_bounds = array<i64: 1024, 1024>}, {pipeline_mode = #tpu.pipeline_mode<synchronous>, transform_indices = @transform_6, window_bounds = array<i64: 1, 1024>}, {pipeline_mode = #tpu.pipeline_mode<synchronous>, transform_indices = @transform_7, window_bounds = array<i64: 1024, 1024>}, {pipeline_mode = #tpu.pipeline_mode<synchronous>, transform_indices = @transform_8, window_bounds = array<i64: 1, 1024>}, {pipeline_mode = #tpu.pipeline_mode<synchronous>, transform_indices = @transform_9, window_bounds = array<i64: 1, 1024>}, {pipeline_mode = #tpu.pipeline_mode<synchronous>, transform_indices = @transform_10, window_bounds = array<i64: 1, 1024>}, {transform_indices = @transform_11, window_bounds = array<i64: 256, 1024>}]} {
    %eq3A = arith.constant 0 : i32
    %eq3A_0 = arith.cmpi eq, %arg0, %eq3A : i32
    %convert_element_type3A = arith.extui %eq3A_0 : i1 to i32
    %cond3A = arith.constant 0 : i32
    %cond3A_1 = arith.cmpi ne, %convert_element_type3A, %cond3A : i32
    scf.if %cond3A_1 {
      %broadcast_in_dim3A_198 = arith.constant 0.000000e+00 : f32
      %broadcast_in_dim3A_199 = vector.broadcast %broadcast_in_dim3A_198 : f32 to vector<2048x1024xf32>
      %swap3A_200 = arith.constant 0 : index
      %swap3A_201 = arith.constant 0 : index
      %swap3A_202 = vector.load %arg14[%swap3A_200, %swap3A_201] : memref<2048x1024xf32, #tpu.memory_space<vmem>>, vector<2048x1024xf32>
      tpu.vector_store %arg14[%swap3A_200, %swap3A_201], %broadcast_in_dim3A_199 {strides = array<i32>} : memref<2048x1024xf32, #tpu.memory_space<vmem>>, vector<2048x1024xf32>,
      %broadcast_in_dim3A_203 = arith.constant 0.000000e+00 : f32
      %broadcast_in_dim3A_204 = vector.broadcast %broadcast_in_dim3A_203 : f32 to vector<8x1024xf32>
      %swap3A_205 = arith.constant 0 : index
      %swap3A_206 = arith.constant 0 : index
      %swap3A_207 = vector.load %arg15[%swap3A_205, %swap3A_206] : memref<8x1024xf32, #tpu.memory_space<vmem>>, vector<8x1024xf32>
      tpu.vector_store %arg15[%swap3A_205, %swap3A_206], %broadcast_in_dim3A_204 {strides = array<i32>} : memref<8x1024xf32, #tpu.memory_space<vmem>>, vector<8x1024xf32>,
    } else {
    }
    %get3A = arith.constant 0 : index
    %get3A_2 = arith.constant 0 : index
    %get3A_3 = vector.load %arg15[%get3A, %get3A_2] : memref<8x1024xf32, #tpu.memory_space<vmem>>, vector<8x1024xf32>
    %get3A_4 = arith.constant 0 : index
    %get3A_5 = arith.constant 0 : index
    %get3A_6 = vector.load %arg1[%get3A_4, %get3A_5] : memref<256x1024xf32, #tpu.memory_space<vmem>>, vector<256x1024xf32>
    %slice3A = vector.extract_strided_slice %get3A_6 {offsets = [248, 0], sizes = [8, 1024], strides = [1, 1]} : vector<256x1024xf32> to vector<8x1024xf32>
    %swap3A = arith.constant 0 : index
    %swap3A_7 = arith.constant 0 : index
    %swap3A_8 = vector.load %arg15[%swap3A, %swap3A_7] : memref<8x1024xf32, #tpu.memory_space<vmem>>, vector<8x1024xf32>
    tpu.vector_store %arg15[%swap3A, %swap3A_7], %slice3A {strides = array<i32>} : memref<8x1024xf32, #tpu.memory_space<vmem>>, vector<8x1024xf32>,
    %concatenate3A = tpu.concatenate %get3A_3, %get3A_6 in 0 : vector<8x1024xf32>, vector<256x1024xf32> -> vector<264x1024xf32>
    %slice3A_9 = vector.extract_strided_slice %concatenate3A {offsets = [8, 0], sizes = [256, 1024], strides = [1, 1]} : vector<264x1024xf32> to vector<256x1024xf32>
    %slice3A_10 = vector.extract_strided_slice %concatenate3A {offsets = [7, 0], sizes = [256, 1024], strides = [1, 1]} : vector<264x1024xf32> to vector<256x1024xf32>
    %add3A = arith.addf %slice3A_9, %slice3A_10 : vector<256x1024xf32>
    %slice3A_11 = vector.extract_strided_slice %concatenate3A {offsets = [6, 0], sizes = [256, 1024], strides = [1, 1]} : vector<264x1024xf32> to vector<256x1024xf32>
    %add3A_12 = arith.addf %add3A, %slice3A_11 : vector<256x1024xf32>
    %slice3A_13 = vector.extract_strided_slice %concatenate3A {offsets = [5, 0], sizes = [256, 1024], strides = [1, 1]} : vector<264x1024xf32> to vector<256x1024xf32>
    %add3A_14 = arith.addf %add3A_12, %slice3A_13 : vector<256x1024xf32>
    %get3A_15 = arith.constant 0 : index
    %get3A_16 = arith.constant 0 : index
    %get3A_17 = vector.load %arg2[%get3A_15, %get3A_16] : memref<1024x1024xf32, #tpu.memory_space<vmem>>, vector<1024x1024xf32>
    %convert_element_type3A_18 = arith.truncf %add3A_14 : vector<256x1024xf32> to vector<256x1024xbf16>
    %convert_element_type3A_19 = arith.truncf %get3A_17 : vector<1024x1024xf32> to vector<1024x1024xbf16>
    %dot_general3A = arith.constant dense<0.000000e+00> : vector<256x1024xf32>
    %dot_general3A_20 = tpu.matmul %convert_element_type3A_18, %convert_element_type3A_19, %dot_general3A {dimension_numbers = #tpu.dot_dimension_numbers<[1], [1], [0], [0], [0, 0, 1, 0], [], []>, transpose_lhs_hint = false} : vector<256x1024xbf16>, vector<1024x1024xbf16>, vector<256x1024xf32> -> vector<256x1024xf32>
    %get3A_21 = arith.constant 0 : index
    %get3A_22 = arith.constant 0 : index
    %get3A_23 = vector.load %arg3[%get3A_21, %get3A_22] : memref<1x1024xf32, #tpu.memory_space<vmem>>, vector<1x1024xf32>
    %add3A_24 = vector.broadcast %get3A_23 : vector<1x1024xf32> to vector<256x1024xf32>
    %add3A_25 = arith.addf %dot_general3A_20, %add3A_24 : vector<256x1024xf32>
    %get3A_26 = arith.constant 0 : index
    %get3A_27 = arith.constant 0 : index
    %get3A_28 = vector.load %arg4[%get3A_26, %get3A_27] : memref<1024x1024xf32, #tpu.memory_space<vmem>>, vector<1024x1024xf32>
    %convert_element_type3A_29 = arith.truncf %add3A_14 : vector<256x1024xf32> to vector<256x1024xbf16>
    %convert_element_type3A_30 = arith.truncf %get3A_28 : vector<1024x1024xf32> to vector<1024x1024xbf16>
    %dot_general3A_31 = arith.constant dense<0.000000e+00> : vector<256x1024xf32>
    %dot_general3A_32 = tpu.matmul %convert_element_type3A_29, %convert_element_type3A_30, %dot_general3A_31 {dimension_numbers = #tpu.dot_dimension_numbers<[1], [1], [0], [0], [0, 0, 1, 0], [], []>, transpose_lhs_hint = false} : vector<256x1024xbf16>, vector<1024x1024xbf16>, vector<256x1024xf32> -> vector<256x1024xf32>
    %get3A_33 = arith.constant 0 : index
    %get3A_34 = arith.constant 0 : index
    %get3A_35 = vector.load %arg5[%get3A_33, %get3A_34] : memref<1x1024xf32, #tpu.memory_space<vmem>>, vector<1x1024xf32>
    %add3A_36 = vector.broadcast %get3A_35 : vector<1x1024xf32> to vector<256x1024xf32>
    %add3A_37 = arith.addf %dot_general3A_32, %add3A_36 : vector<256x1024xf32>
    %get3A_38 = arith.constant 0 : index
    %get3A_39 = arith.constant 0 : index
    %get3A_40 = vector.load %arg6[%get3A_38, %get3A_39] : memref<1024x1024xf32, #tpu.memory_space<vmem>>, vector<1024x1024xf32>
    %convert_element_type3A_41 = arith.truncf %add3A_14 : vector<256x1024xf32> to vector<256x1024xbf16>
    %convert_element_type3A_42 = arith.truncf %get3A_40 : vector<1024x1024xf32> to vector<1024x1024xbf16>
    %dot_general3A_43 = arith.constant dense<0.000000e+00> : vector<256x1024xf32>
    %dot_general3A_44 = tpu.matmul %convert_element_type3A_41, %convert_element_type3A_42, %dot_general3A_43 {dimension_numbers = #tpu.dot_dimension_numbers<[1], [1], [0], [0], [0, 0, 1, 0], [], []>, transpose_lhs_hint = false} : vector<256x1024xbf16>, vector<1024x1024xbf16>, vector<256x1024xf32> -> vector<256x1024xf32>
    %get3A_45 = arith.constant 0 : index
    %get3A_46 = arith.constant 0 : index
    %get3A_47 = vector.load %arg7[%get3A_45, %get3A_46] : memref<1x1024xf32, #tpu.memory_space<vmem>>, vector<1x1024xf32>
    %add3A_48 = vector.broadcast %get3A_47 : vector<1x1024xf32> to vector<256x1024xf32>
    %add3A_49 = arith.addf %dot_general3A_44, %add3A_48 : vector<256x1024xf32>
    %mul3A = arith.constant 256 : i32
    %mul3A_50 = arith.muli %arg0, %mul3A : i32
    %swap3A_51 = arith.index_cast %mul3A_50 : i32 to index
    %swap3A_52 = arith.constant 0 : index
    %swap3A_53 = vector.load %arg13[%swap3A_51, %swap3A_52] : memref<2048x1024xf32, #tpu.memory_space<vmem>>, vector<256x1024xf32>
    tpu.vector_store %arg13[%swap3A_51, %swap3A_52], %add3A_37 {strides = array<i32>} : memref<2048x1024xf32, #tpu.memory_space<vmem>>, vector<256x1024xf32>,
    %mul3A_54 = arith.constant 256 : i32
    %mul3A_55 = arith.muli %arg0, %mul3A_54 : i32
    %swap3A_56 = arith.index_cast %mul3A_55 : i32 to index
    %swap3A_57 = arith.constant 0 : index
    %swap3A_58 = vector.load %arg14[%swap3A_56, %swap3A_57] : memref<2048x1024xf32, #tpu.memory_space<vmem>>, vector<256x1024xf32>
    tpu.vector_store %arg14[%swap3A_56, %swap3A_57], %add3A_49 {strides = array<i32>} : memref<2048x1024xf32, #tpu.memory_space<vmem>>, vector<256x1024xf32>,
    %mul3A_59 = arith.constant 256 : i32
    %mul3A_60 = arith.muli %arg0, %mul3A_59 : i32
    %sub3A = arith.constant 512 : i32
    %sub3A_61 = arith.subi %mul3A_60, %sub3A : i32
    %max3A = arith.constant 0 : i32
    %max3A_62 = arith.maxsi %sub3A_61, %max3A : i32
    %multiple_of3A = tpu.assume_multiple %max3A_62, 256 : i32
    %get3A_63 = arith.index_cast %multiple_of3A : i32 to index
    %get3A_64 = arith.constant 0 : index
    %get3A_65 = vector.load %arg13[%get3A_63, %get3A_64] : memref<2048x1024xf32, #tpu.memory_space<vmem>>, vector<768x1024xf32>
    %get3A_66 = arith.index_cast %multiple_of3A : i32 to index
    %get3A_67 = arith.constant 0 : index
    %get3A_68 = vector.load %arg14[%get3A_66, %get3A_67] : memref<2048x1024xf32, #tpu.memory_space<vmem>>, vector<768x1024xf32>
    %mul3A_69 = arith.constant 256 : i32
    %mul3A_70 = arith.muli %arg0, %mul3A_69 : i32
    %iota3A = tpu.iota {dimensions = array<i32: 0>} : vector<256x1xi32>
    %add3A_71 = vector.broadcast %mul3A_70 : i32 to vector<256x1xi32>
    %add3A_72 = arith.addi %add3A_71, %iota3A : vector<256x1xi32>
    %iota3A_73 = tpu.iota {dimensions = array<i32: 1>} : vector<256x768xi32>
    %add3A_74 = vector.broadcast %max3A_62 : i32 to vector<256x768xi32>
    %add3A_75 = arith.addi %add3A_74, %iota3A_73 : vector<256x768xi32>
    %convert_element_type3A_76 = arith.truncf %add3A_25 : vector<256x1024xf32> to vector<256x1024xbf16>
    %convert_element_type3A_77 = arith.truncf %get3A_65 : vector<768x1024xf32> to vector<768x1024xbf16>
    %dot_general3A_78 = arith.constant dense<0.000000e+00> : vector<256x768xf32>
    %dot_general3A_79 = tpu.matmul %convert_element_type3A_76, %convert_element_type3A_77, %dot_general3A_78 {dimension_numbers = #tpu.dot_dimension_numbers<[1], [1], [0], [0], [0, 0, 1, 0], [], []>, transpose_lhs_hint = false} : vector<256x1024xbf16>, vector<768x1024xbf16>, vector<256x768xf32> -> vector<256x768xf32>
    %mul3A_80 = arith.constant 3.125000e-02 : f32
    %mul3A_81 = vector.broadcast %mul3A_80 : f32 to vector<256x768xf32>
    %mul3A_82 = arith.mulf %dot_general3A_79, %mul3A_81 : vector<256x768xf32>
    %le3A = vector.broadcast %add3A_72 : vector<256x1xi32> to vector<256x768xi32>
    %le3A_83 = arith.cmpi sle, %add3A_75, %le3A : vector<256x768xi32>
    %jit3A = arith.constant 0xFF800000 : f32
    %broadcast_in_dim3A = vector.broadcast %jit3A : f32 to vector<256x768xf32>
    %select_n3A = arith.select %le3A_83, %mul3A_82, %broadcast_in_dim3A : vector<256x768xi1>, vector<256x768xf32>
    %gt3A = arith.constant 0 : i32
    %gt3A_84 = arith.cmpi sgt, %max3A_62, %gt3A : i32
    %gt3A_85 = arith.constant 1024 : i32
    %gt3A_86 = arith.cmpi sgt, %max3A_62, %gt3A_85 : i32
    %get3A_87 = arith.constant 0 : index
    %get3A_88 = arith.constant 0 : index
    %get3A_89 = vector.load %arg13[%get3A_87, %get3A_88] : memref<2048x1024xf32, #tpu.memory_space<vmem>>, vector<1x1024xf32>
    %mul3A_90 = vector.broadcast %get3A_89 : vector<1x1024xf32> to vector<256x1024xf32>
    %mul3A_91 = arith.mulf %add3A_25, %mul3A_90 : vector<256x1024xf32>
    %reduce_sum3A = arith.constant dense<0.000000e+00> : vector<256xf32>
    %reduce_sum3A_92 = vector.multi_reduction <add>, %mul3A_91, %reduce_sum3A [1] : vector<256x1024xf32> to vector<256xf32>
    %broadcast_in_dim3A_93 = vector.shape_cast %reduce_sum3A_92 : vector<256xf32> to vector<256x1xf32>
    %mul3A_94 = arith.constant 3.125000e-02 : f32
    %mul3A_95 = vector.broadcast %mul3A_94 : f32 to vector<256x1xf32>
    %mul3A_96 = arith.mulf %broadcast_in_dim3A_93, %mul3A_95 : vector<256x1xf32>
    %jit3A_97 = arith.constant 0xFF800000 : f32
    %broadcast_in_dim3A_98 = vector.broadcast %jit3A_97 : f32 to vector<256x1xf32>
    %select_n3A_99 = arith.select %gt3A_84, %mul3A_96, %broadcast_in_dim3A_98 : vector<256x1xf32>
    %get3A_100 = arith.constant 1024 : index
    %get3A_101 = arith.constant 0 : index
    %get3A_102 = vector.load %arg13[%get3A_100, %get3A_101] : memref<2048x1024xf32, #tpu.memory_space<vmem>>, vector<1x1024xf32>
    %mul3A_103 = vector.broadcast %get3A_102 : vector<1x1024xf32> to vector<256x1024xf32>
    %mul3A_104 = arith.mulf %add3A_25, %mul3A_103 : vector<256x1024xf32>
    %reduce_sum3A_105 = arith.constant dense<0.000000e+00> : vector<256xf32>
    %reduce_sum3A_106 = vector.multi_reduction <add>, %mul3A_104, %reduce_sum3A_105 [1] : vector<256x1024xf32> to vector<256xf32>
    %broadcast_in_dim3A_107 = vector.shape_cast %reduce_sum3A_106 : vector<256xf32> to vector<256x1xf32>
    %mul3A_108 = arith.constant 3.125000e-02 : f32
    %mul3A_109 = vector.broadcast %mul3A_108 : f32 to vector<256x1xf32>
    %mul3A_110 = arith.mulf %broadcast_in_dim3A_107, %mul3A_109 : vector<256x1xf32>
    %jit3A_111 = arith.constant 0xFF800000 : f32
    %broadcast_in_dim3A_112 = vector.broadcast %jit3A_111 : f32 to vector<256x1xf32>
    %select_n3A_113 = arith.select %gt3A_86, %mul3A_110, %broadcast_in_dim3A_112 : vector<256x1xf32>
    %get3A_114 = arith.constant 0 : index
    %get3A_115 = arith.constant 0 : index
    %get3A_116 = vector.load %arg14[%get3A_114, %get3A_115] : memref<2048x1024xf32, #tpu.memory_space<vmem>>, vector<1x1024xf32>
    %get3A_117 = arith.constant 1024 : index
    %get3A_118 = arith.constant 0 : index
    %get3A_119 = vector.load %arg14[%get3A_117, %get3A_118] : memref<2048x1024xf32, #tpu.memory_space<vmem>>, vector<1x1024xf32>
    %jit3A_120 = arith.constant 0.000000e+00 : f32
    %broadcast_in_dim3A_121 = vector.broadcast %jit3A_120 : f32 to vector<1x1024xf32>
    %select_n3A_122 = arith.select %gt3A_86, %get3A_119, %broadcast_in_dim3A_121 : vector<1x1024xf32>
    %reduce_max3A = arith.constant dense<0xFF800000> : vector<256xf32>
    %reduce_max3A_123 = vector.multi_reduction <maximumf>, %select_n3A, %reduce_max3A [1] : vector<256x768xf32> to vector<256xf32>
    %broadcast_in_dim3A_124 = vector.shape_cast %reduce_max3A_123 : vector<256xf32> to vector<256x1xf32>
    %max3A_125 = arith.maximumf %select_n3A_99, %select_n3A_113 : vector<256x1xf32>
    %max3A_126 = arith.maximumf %broadcast_in_dim3A_124, %max3A_125 : vector<256x1xf32>
    %sub3A_127 = vector.broadcast %max3A_126 : vector<256x1xf32> to vector<256x768xf32>
    %sub3A_128 = arith.subf %select_n3A, %sub3A_127 : vector<256x768xf32>
    %exp3A = math.exp %sub3A_128 : vector<256x768xf32>
    %sub3A_129 = arith.subf %select_n3A_99, %max3A_126 : vector<256x1xf32>
    %exp3A_130 = math.exp %sub3A_129 : vector<256x1xf32>
    %sub3A_131 = arith.subf %select_n3A_113, %max3A_126 : vector<256x1xf32>
    %exp3A_132 = math.exp %sub3A_131 : vector<256x1xf32>
    %reduce_sum3A_133 = arith.constant dense<0.000000e+00> : vector<256xf32>
    %reduce_sum3A_134 = vector.multi_reduction <add>, %exp3A, %reduce_sum3A_133 [1] : vector<256x768xf32> to vector<256xf32>
    %broadcast_in_dim3A_135 = vector.shape_cast %reduce_sum3A_134 : vector<256xf32> to vector<256x1xf32>
    %add3A_136 = arith.addf %broadcast_in_dim3A_135, %exp3A_130 : vector<256x1xf32>
    %add3A_137 = arith.addf %add3A_136, %exp3A_132 : vector<256x1xf32>
    %convert_element_type3A_138 = arith.truncf %exp3A : vector<256x768xf32> to vector<256x768xbf16>
    %convert_element_type3A_139 = arith.truncf %get3A_68 : vector<768x1024xf32> to vector<768x1024xbf16>
    %dot_general3A_140 = arith.constant dense<0.000000e+00> : vector<256x1024xf32>
    %dot_general3A_141 = tpu.matmul %convert_element_type3A_138, %convert_element_type3A_139, %dot_general3A_140 {dimension_numbers = #tpu.dot_dimension_numbers<[1], [0], [0], [1], [0, 0, 1, 1], [], []>, transpose_lhs_hint = false} : vector<256x768xbf16>, vector<768x1024xbf16>, vector<256x1024xf32> -> vector<256x1024xf32>
    %mul3A_142 = vector.broadcast %exp3A_130 : vector<256x1xf32> to vector<256x1024xf32>
    %mul3A_143 = vector.broadcast %get3A_116 : vector<1x1024xf32> to vector<256x1024xf32>
    %mul3A_144 = arith.mulf %mul3A_142, %mul3A_143 : vector<256x1024xf32>
    %add3A_145 = arith.addf %dot_general3A_141, %mul3A_144 : vector<256x1024xf32>
    %mul3A_146 = vector.broadcast %exp3A_132 : vector<256x1xf32> to vector<256x1024xf32>
    %mul3A_147 = vector.broadcast %select_n3A_122 : vector<1x1024xf32> to vector<256x1024xf32>
    %mul3A_148 = arith.mulf %mul3A_146, %mul3A_147 : vector<256x1024xf32>
    %add3A_149 = arith.addf %add3A_145, %mul3A_148 : vector<256x1024xf32>
    %div3A = vector.broadcast %add3A_137 : vector<256x1xf32> to vector<256x1024xf32>
    %div3A_150 = arith.divf %add3A_149, %div3A : vector<256x1024xf32>
    %get3A_151 = arith.constant 0 : index
    %get3A_152 = arith.constant 0 : index
    %get3A_153 = vector.load %arg8[%get3A_151, %get3A_152] : memref<1024x1024xf32, #tpu.memory_space<vmem>>, vector<1024x1024xf32>
    %convert_element_type3A_154 = arith.truncf %div3A_150 : vector<256x1024xf32> to vector<256x1024xbf16>
    %convert_element_type3A_155 = arith.truncf %get3A_153 : vector<1024x1024xf32> to vector<1024x1024xbf16>
    %dot_general3A_156 = arith.constant dense<0.000000e+00> : vector<256x1024xf32>
    %dot_general3A_157 = tpu.matmul %convert_element_type3A_154, %convert_element_type3A_155, %dot_general3A_156 {dimension_numbers = #tpu.dot_dimension_numbers<[1], [1], [0], [0], [0, 0, 1, 0], [], []>, transpose_lhs_hint = false} : vector<256x1024xbf16>, vector<1024x1024xbf16>, vector<256x1024xf32> -> vector<256x1024xf32>
    %get3A_158 = arith.constant 0 : index
    %get3A_159 = arith.constant 0 : index
    %get3A_160 = vector.load %arg9[%get3A_158, %get3A_159] : memref<1x1024xf32, #tpu.memory_space<vmem>>, vector<1x1024xf32>
    %add3A_161 = vector.broadcast %get3A_160 : vector<1x1024xf32> to vector<256x1024xf32>
    %add3A_162 = arith.addf %dot_general3A_157, %add3A_161 : vector<256x1024xf32>
    %reduce_sum3A_163 = arith.constant dense<0.000000e+00> : vector<256xf32>
    %reduce_sum3A_164 = vector.multi_reduction <add>, %add3A_162, %reduce_sum3A_163 [1] : vector<256x1024xf32> to vector<256xf32>
    %broadcast_in_dim3A_165 = vector.shape_cast %reduce_sum3A_164 : vector<256xf32> to vector<256x1xf32>
    %div3A_166 = arith.constant 1.024000e+03 : f32
    %div3A_167 = vector.broadcast %div3A_166 : f32 to vector<256x1xf32>
    %div3A_168 = arith.divf %broadcast_in_dim3A_165, %div3A_167 : vector<256x1xf32>
    %sub3A_169 = vector.broadcast %div3A_168 : vector<256x1xf32> to vector<256x1024xf32>
    %sub3A_170 = arith.subf %add3A_162, %sub3A_169 : vector<256x1024xf32>
    %integer_pow3A = arith.mulf %sub3A_170, %sub3A_170 : vector<256x1024xf32>
    %reduce_sum3A_171 = arith.constant dense<0.000000e+00> : vector<256xf32>
    %reduce_sum3A_172 = vector.multi_reduction <add>, %integer_pow3A, %reduce_sum3A_171 [1] : vector<256x1024xf32> to vector<256xf32>
    %broadcast_in_dim3A_173 = vector.shape_cast %reduce_sum3A_172 : vector<256xf32> to vector<256x1xf32>
    %div3A_174 = arith.constant 1.024000e+03 : f32
    %div3A_175 = vector.broadcast %div3A_174 : f32 to vector<256x1xf32>
    %div3A_176 = arith.divf %broadcast_in_dim3A_173, %div3A_175 : vector<256x1xf32>
    %sub3A_177 = vector.broadcast %div3A_168 : vector<256x1xf32> to vector<256x1024xf32>
    %sub3A_178 = arith.subf %add3A_162, %sub3A_177 : vector<256x1024xf32>
    %add3A_179 = arith.constant 9.99999974E-6 : f32
    %add3A_180 = vector.broadcast %add3A_179 : f32 to vector<256x1xf32>
    %add3A_181 = arith.addf %div3A_176, %add3A_180 : vector<256x1xf32>
    %rsqrt3A = math.rsqrt %add3A_181 : vector<256x1xf32>
    %mul3A_182 = vector.broadcast %rsqrt3A : vector<256x1xf32> to vector<256x1024xf32>
    %mul3A_183 = arith.mulf %sub3A_178, %mul3A_182 : vector<256x1024xf32>
    %get3A_184 = arith.constant 0 : index
    %get3A_185 = arith.constant 0 : index
    %get3A_186 = vector.load %arg10[%get3A_184, %get3A_185] : memref<1x1024xf32, #tpu.memory_space<vmem>>, vector<1x1024xf32>
    %mul3A_187 = vector.broadcast %get3A_186 : vector<1x1024xf32> to vector<256x1024xf32>
    %mul3A_188 = arith.mulf %mul3A_183, %mul3A_187 : vector<256x1024xf32>
    %get3A_189 = arith.constant 0 : index
    %get3A_190 = arith.constant 0 : index
    %get3A_191 = vector.load %arg11[%get3A_189, %get3A_190] : memref<1x1024xf32, #tpu.memory_space<vmem>>, vector<1x1024xf32>
    %add3A_192 = vector.broadcast %get3A_191 : vector<1x1024xf32> to vector<256x1024xf32>
    %add3A_193 = arith.addf %mul3A_188, %add3A_192 : vector<256x1024xf32>
    %convert_element_type3A_194 = arith.truncf %add3A_193 : vector<256x1024xf32> to vector<256x1024xbf16>
    %swap3A_195 = arith.constant 0 : index
    %swap3A_196 = arith.constant 0 : index
    %swap3A_197 = vector.load %arg12[%swap3A_195, %swap3A_196] : memref<256x1024xbf16, #tpu.memory_space<vmem>>, vector<256x1024xbf16>
    tpu.vector_store %arg12[%swap3A_195, %swap3A_196], %convert_element_type3A_194 {strides = array<i32>} : memref<256x1024xbf16, #tpu.memory_space<vmem>>, vector<256x1024xbf16>,
    return
  }
  func.func @transform_0(%arg0: i32) -> (i32, i32) {
    %c0_i32 = arith.constant 0 : i32
    %c0_i32_0 = arith.constant 0 : i32
    return %arg0, %c0_i32 : i32, i32
  }
  func.func @transform_1(%arg0: i32) -> (i32, i32) {
    %c0_i32 = arith.constant 0 : i32
    %c0_i32_0 = arith.constant 0 : i32
    %c0_i32_1 = arith.constant 0 : i32
    return %c0_i32, %c0_i32_0 : i32, i32
  }
  func.func @transform_2(%arg0: i32) -> (i32, i32) {
    %c0_i32 = arith.constant 0 : i32
    %c0_i32_0 = arith.constant 0 : i32
    %c0_i32_1 = arith.constant 0 : i32
    return %c0_i32, %c0_i32_0 : i32, i32
  }
  func.func @transform_3(%arg0: i32) -> (i32, i32) {
    %c0_i32 = arith.constant 0 : i32
    %c0_i32_0 = arith.constant 0 : i32
    %c0_i32_1 = arith.constant 0 : i32
    return %c0_i32, %c0_i32_0 : i32, i32
  }
  func.func @transform_4(%arg0: i32) -> (i32, i32) {
    %c0_i32 = arith.constant 0 : i32
    %c0_i32_0 = arith.constant 0 : i32
    %c0_i32_1 = arith.constant 0 : i32
    return %c0_i32, %c0_i32_0 : i32, i32
  }
  func.func @transform_5(%arg0: i32) -> (i32, i32) {
    %c0_i32 = arith.constant 0 : i32
    %c0_i32_0 = arith.constant 0 : i32
    %c0_i32_1 = arith.constant 0 : i32
    return %c0_i32, %c0_i32_0 : i32, i32
  }
  func.func @transform_6(%arg0: i32) -> (i32, i32) {
    %c0_i32 = arith.constant 0 : i32
    %c0_i32_0 = arith.constant 0 : i32
    %c0_i32_1 = arith.constant 0 : i32
    return %c0_i32, %c0_i32_0 : i32, i32
  }
  func.func @transform_7(%arg0: i32) -> (i32, i32) {
    %c0_i32 = arith.constant 0 : i32
    %c0_i32_0 = arith.constant 0 : i32
    %c0_i32_1 = arith.constant 0 : i32
    return %c0_i32, %c0_i32_0 : i32, i32
  }
  func.func @transform_8(%arg0: i32) -> (i32, i32) {
    %c0_i32 = arith.constant 0 : i32
    %c0_i32_0 = arith.constant 0 : i32
    %c0_i32_1 = arith.constant 0 : i32
    return %c0_i32, %c0_i32_0 : i32, i32
  }
  func.func @transform_9(%arg0: i32) -> (i32, i32) {
    %c0_i32 = arith.constant 0 : i32
    %c0_i32_0 = arith.constant 0 : i32
    %c0_i32_1 = arith.constant 0 : i32
    return %c0_i32, %c0_i32_0 : i32, i32
  }
  func.func @transform_10(%arg0: i32) -> (i32, i32) {
    %c0_i32 = arith.constant 0 : i32
    %c0_i32_0 = arith.constant 0 : i32
    %c0_i32_1 = arith.constant 0 : i32
    return %c0_i32, %c0_i32_0 : i32, i32
  }
  func.func @transform_11(%arg0: i32) -> (i32, i32) {
    %c0_i32 = arith.constant 0 : i32
    %c0_i32_0 = arith.constant 0 : i32
    return %arg0, %c0_i32 : i32, i32
  }
}

</mosaic_0001>

<sc_bundles>
// kernel: kernel.5.cloned.1.call-start
scs
__scs_entry_jumppad:
0x0: {  	(pc) =	sbr.rel $0x88, $3  }
0x1: {  	(tag) =	ssettag $0x0;
	lr =	simm.s32 $0x1  }
0x2: {  	[smem:$0x3F93] =	sst lr;
	_ =	strace $0xD0000000  }
0x3: {  	_ = 	snop  }
0x4: {  	_ = 	snop  }
0x5: {  	_ = 	snop  }
0x6: {  	_ = 	snop  }
0x7: {  	_ = 	snop  }
__scs_overlays_trampoline_lowered:
0x8: {  	[smem:$0x3FA2] =	sst s0  }
0x9: {  	[smem:$0x3FA3] =	sst s1  }
0xa: {  	[smem:$0x3FA4] =	sst s2  }
0xb: {  	[smem:$0x3FA5] =	sst s3  }
0xc: {  	[smem:$0x3FA6] =	sst s4  }
0xd: {  	[smem:$0x3FA7] =	sst s5  }
0xe: {  	[smem:$0x3FA8] =	sst s6  }
0xf: {  	[smem:$0x3FA9] =	sst s7  }
0x10: {  	[smem:$0x3FAA] =	sst s8  }
0x11: {  	[smem:$0x3FAB] =	sst s9;
	s0 =	simm.s32 @!p0 $0x0  }
0x12: {  	s1 =	sld [smem:$0x3F91];
	s0 =	simm.s32 @p0 $0x1  }
0x13: {  	[smem:$0x3FAC] =	sst s0;
	s0 =	simm.s32 @!p1 $0x0  }
0x14: {  	s2 =	sld [smem:$0x3F90];
	s0 =	simm.s32 @p1 $0x1  }
0x15: {  	[smem:$0x3FAD] =	sst s0;
	s0 =	simm.s32 @!p2 $0x0  }
0x16: {  	s3 =	sld [smem:$0x3FDB];
	s0 =	simm.s32 @p2 $0x1  }
0x17: {  	s4 =	simm.s32 $0x1BF5;
	[smem:$0x3FAF] =	sst s0  }
0x18: {  	s0 =	sld [smem:$0x3F92];
	_ =	swait.ge [sflag:s4], $0x0  }
0x19: {  	s7 =	sld [smem:$0x3F93]  }
0x1a: {  	s8 =	sadd.s32 $0xFFFFE003, lr  }
0x1b: {  	s9 =	sadd.s32 $0xFFFFFEF7, lr;
	s5 =	simm.s32 $0xFFFFFFFF;
	p2 =	slt.u32 s8, $0xFFFFF086  }
0x1c: {  	p1 =	slt.u32 s9, $0xF7A;
	s5 =	simm.s32 @!p2 $0x0  }
0x1d: {  	s5 =	simm.s32 @p1 $0x1;
	p0 =	seq.s32 s7, s2  }
0x1e: {  	s7 =	smul.u32 @!p0 $0xF7A, s2;
	p2 =	seq.s32 @!p0 s5, $0x0  }
0x1f: {  	s9 =	smul.u32 $0xF7A, s1;
	s8 =	simm.s32 @!p0 $0x1BF5;
	p2 =	por !p2, p0  }
0x20: {  	[sflag:s8] =	ssyncset.s32 @!p0 $0xFFFFF086;
	s6 =	sadd.s32 @!p0 s3, s7;
	s7 =	simm.s32 @!p0 $0x108  }
0x21: {  	s3 =	sadd.s32 s3, s9;
	s6 =	sadd.s32 @!p0 $0x88, s6;
	s7 =	simm.s32 @p2 $0x1082  }
0x22: {  	[simem:s7], [sflag:s8] =	dma.local @!p0 [hbm:s6], $0xF7A  }
0x23: {  	s9 =	sor.u32 $0xD0000000, s2;
	s6 =	simm.s32 $0x108;
	_ =	swait.ge @!p0 [sflag:s8], $0x0  }
0x24: {  	s3 =	sadd.s32 $0x88, s3;
	s6 =	simm.s32 @!p1 $0x1082;
	[sflag:s4] =	ssyncset.s32 $0xFFFFF086  }
0x25: {  	[simem:s6], [sflag:s4] =	dma.local [hbm:s3], $0xF7A  }
0x26: {  	[smem:$0x3F93] =	sst s1;
	(tag) =	ssettag s2;
	_ =	strace s9  }
0x27: {  	s1 =	sld [smem:$0x3FA3]  }
0x28: {  	s2 =	sld [smem:$0x3FA4]  }
0x29: {  	s4 =	sld [smem:$0x3FA6]  }
0x2a: {  	p0 =	seq.s32 s5, $0x0;
	s5 =	sld [smem:$0x3FA7]  }
0x2b: {  	s6 =	sld [smem:$0x3FA8]  }
0x2c: {  	s7 =	sld [smem:$0x3FA9]  }
0x2d: {  	s3 =	simm.s32 $0x108;
	s8 =	sld [smem:$0x3FAA]  }
0x2e: {  	s3 =	simm.s32 @!p0 $0x1082;
	s9 =	sld [smem:$0x3FAB]  }
0x2f: {  	lr =	sadd.s32 s0, s3;
	s0 =	sld [smem:$0x3FA2]  }
0x30: {  	s3 =	sld [smem:$0x3FA5]  }
0x31: {  	[smem:$0x3FAE] =	sst s10  }
0x32: {  	s10 =	sld [smem:$0x3FAC];
	_ =	sdelay $0x3  }
0x33: {  	p0 =	seq.s32 s10, $0x1;
	s10 =	sld [smem:$0x3FAE];
	_ =	sdelay $0x3  }
0x34: {  	[smem:$0x3FAE] =	sst s10  }
0x35: {  	s10 =	sld [smem:$0x3FAD];
	_ =	sdelay $0x3  }
0x36: {  	p1 =	seq.s32 s10, $0x1;
	s10 =	sld [smem:$0x3FAE];
	_ =	sdelay $0x3  }
0x37: {  	[smem:$0x3FAE] =	sst s10  }
0x38: {  	s10 =	sld [smem:$0x3FAF]  }
0x39: {  	_ = 	snop;
	(pc) =	sbr.ind lr, $3  }
0x3a: {  	_ = 	snop  }
0x3b: {  	_ = 	snop  }
0x3c: {  	p2 =	seq.s32 s10, $0x1;
	s10 =	sld [smem:$0x3FAE]  }
0x3d: {  	_ =	shalt  }
0x3e: {  	_ =	shalt  }
0x3f: {  	_ =	shalt  }
0x40: {  	_ =	shalt  }
0x41: {  	_ =	shalt  }
0x42: {  	_ =	shalt  }
0x43: {  	_ =	shalt  }
0x44: {  	_ =	shalt  }
0x45: {  	_ =	shalt  }
0x46: {  	_ =	shalt  }
0x47: {  	_ =	shalt  }
0x48: {  	_ =	shalt  }
0x49: {  	_ =	shalt  }
0x4a: {  	_ =	shalt  }
0x4b: {  	_ =	shalt  }
0x4c: {  	_ =	shalt  }
0x4d: {  	_ =	shalt  }
0x4e: {  	_ =	shalt  }
0x4f: {  	_ =	shalt  }
0x50: {  	_ =	shalt  }
0x51: {  	_ =	shalt  }
0x52: {  	_ =	shalt  }
0x53: {  	_ =	shalt  }
0x54: {  	_ =	shalt  }
0x55: {  	_ =	shalt  }
0x56: {  	_ =	shalt  }
0x57: {  	_ =	shalt  }
0x58: {  	_ =	shalt  }
0x59: {  	_ =	shalt  }
0x5a: {  	_ =	shalt  }
0x5b: {  	_ =	shalt  }
0x5c: {  	_ =	shalt  }
0x5d: {  	_ =	shalt  }
0x5e: {  	_ =	shalt  }
0x5f: {  	_ =	shalt  }
0x60: {  	_ =	shalt  }
0x61: {  	_ =	shalt  }
0x62: {  	_ =	shalt  }
0x63: {  	_ =	shalt  }
0x64: {  	_ =	shalt  }
0x65: {  	_ =	shalt  }
0x66: {  	_ =	shalt  }
0x67: {  	_ =	shalt  }
0x68: {  	_ =	shalt  }
0x69: {  	_ =	shalt  }
0x6a: {  	_ =	shalt  }
0x6b: {  	_ =	shalt  }
0x6c: {  	_ =	shalt  }
0x6d: {  	_ =	shalt  }
0x6e: {  	_ =	shalt  }
0x6f: {  	_ =	shalt  }
0x70: {  	_ =	shalt  }
0x71: {  	_ =	shalt  }
0x72: {  	_ =	shalt  }
0x73: {  	_ =	shalt  }
0x74: {  	_ =	shalt  }
0x75: {  	_ =	shalt  }
0x76: {  	_ =	shalt  }
0x77: {  	_ =	shalt  }
0x78: {  	_ =	shalt  }
0x79: {  	_ =	shalt  }
0x7a: {  	_ =	shalt  }
0x7b: {  	_ =	shalt  }
0x7c: {  	_ =	shalt  }
0x7d: {  	_ =	shalt  }
0x7e: {  	_ =	shalt  }
0x7f: {  	_ =	shalt  }
0x80: {  	_ =	shalt  }
0x81: {  	_ =	shalt  }
0x82: {  	_ =	shalt  }
0x83: {  	_ =	shalt  }
0x84: {  	_ =	shalt  }
0x85: {  	_ =	shalt  }
0x86: {  	_ =	shalt  }
0x87: {  	_ =	shalt  }
.Lfunc_end0:
.L_simem_size_0:
called_computation_lowered:
.L_overlay_start_0:
0x88: {  	s2 =	sld [smem:$0x3FD9]  }
0x89: {  	s3 =	sld [smem:$0x3FFE];
	_ =	sdelay $0x1  }
0x8a: {  	s1 =	srdreg.scid  }
0x8b: {  	s0 =	sand.u32 $0x1, s1  }
0x8c: {  	s18 =	sshll.u32 s0, $0xA;
	s2 =	sadd.s32 s3, s2  }
0x8d: {  	s2 =	sadd.s32 s2, s18  }
0x8e: {  	[smem:$0x3FBA] =	sst s2  }
0x8f: {  	_ = 	snop  }
0x90: {  	s2 =	sld [smem:$0x3FC9]  }
0x91: {  	s19 =	sld [smem:$0x3FC8]  }
0x92: {  	s4 =	sld [smem:$0x3FD0];
	(tm) =	ssettm $0x1  }
0x93: {  	s5 =	sld [smem:$0x3FFB];
	_ =	sdelay $0x3  }
0x94: {  	_ =	strace s5  }
0x95: {  	s5 =	sld [smem:$0x3FFC];
	_ =	sdelay $0x3  }
0x96: {  	_ =	strace s5  }
0x97: {  	s5 =	sld [smem:$0x3FFD];
	_ =	sdelay $0x3  }
0x98: {  	_ =	strace s5  }
0x99: {  	_ =	strace $0x8FFFFFFF  }
0x9a: {  	s20 =	sld [smem:$0x3FDB];
	_ =	sdelay $0x1  }
0x9b: {  	s6 =	simm.s32 $_scs_section_size  }
0x9c: {  	s7 =	simm.s32 $_size__tile_overlayer_lowered;
	s8 =	simm.s32 $_tile_overlayer_lowered  }
0x9d: {  	s23 =	simm.s32 $0x1BFF;
	s22 =	sshll.u32 s8, $0x1;
	s5 =	sadd.s32 s6, s20  }
0x9e: {  	s9 =	simm.s32 $0x0;
	s21 =	sshll.u32 s7, $0x1;
	s7 =	sadd.s32 s22, s5  }
0x9f: {  	[timem:s9], [sflag:s23] =	dma.local [hbm:s7], s21  }
0xa0: {  	_ =	swait.ge [sflag:s23], s21  }
0xa1: {  	s6 =	ssub.s32 $0x0, s21;
	[sflag:s23] =	ssyncset.done $0x0  }
0xa2: {  	[sflag:s23] =	ssyncadd.s32 s6;
	_ =	sdelay $0x1  }
0xa3: {  	s24 =	simm.s32 $0x1B8B  }
0xa4: {  	_ =	swait.ge [sflag:s24], $0x1  }
0xa5: {  	[sflag:s24] =	ssyncset.done $0x0  }
0xa6: {  	s25 =	simm.s32 $0x1B8E;
	[sflag:s24] =	ssyncadd.s32 $0xFFFFFFFF  }
0xa7: {  	s26 =	simm.s32 $execute0_lowered;
	[smem:$0x3FD2] =	sst s25  }
0xa8: {  	s6 =	sshll.u32 s26, $0x1;
	_ =	strace $0x80000046;
	[dreg:$0x1] =	wrdreg $0xFFFFFFFF  }
0xa9: {  	s28 =	simm.s32 $_size_execute0_lowered;
	s5 =	sadd.s32 s5, s6;
	[dreg:$0x0] =	wrdreg $0x0  }
0xaa: {  	s6 =	sshll.u32 s28, $0x1;
	[dreg:$0x2] =	wrdreg s5  }
0xab: {  	[dreg:$0x3] =	wrdreg s6  }
0xac: {  	[dreg:$0x4] =	wrdreg $0xC0  }
0xad: {  	_ =	task [dreg:s9], $0x5FFFF  }
0xae: {  	[dreg:$0x1] =	wrdreg $0xFFFFFFFF  }
0xaf: {  	[dreg:$0x0] =	wrdreg $0x60  }
0xb0: {  	[dreg:$0x2] =	wrdreg s19  }
0xb1: {  	[dreg:$0x3] =	wrdreg s2  }
0xb2: {  	[dreg:$0x4] =	wrdreg s4  }
0xb3: {  	[dreg:$0x5] =	wrdreg $0x9  }
0xb4: {  	_ =	task.clear_ibuf [dreg:s9], $0x6FFFF;
	_ =	strace $0x90000046  }
0xb5: {  	s29 =	simm.s32 $0x9;
	_ =	strace $0x80000048  }
0xb6: {  	_ =	swait.ge [sflag:s29], $0x1  }
0xb7: {  	[sflag:s29] =	ssyncadd.s32 $0xFFFFFFFF  }
0xb8: {  	_ =	strace $0x90000048  }
0xb9: {  	_ =	sfence  }
0xba: {  	s30 =	sld [smem:$0x0];
	_ =	sdelay $0x2  }
0xbb: {  	s31 =	sshll.u32 s1, $0xD;
	s1 =	sshrl.u32 s1, $0x2  }
0xbc: {  	s3 =	sand.u32 $0x4000, s31;
	s1 =	sadd.s32 s1, s30  }
0xbd: {  	s0 =	sor.u32 s3, s0;
	s1 =	sshll.u32 s1, $0x11  }
0xbe: {  	s0 =	sor.u32 s1, s0  }
0xbf: {  	s0 =	sadd.s32 $0x8F2B, s0  }
0xc0: {  	[sflag:s0] =	ssyncadd.remote.s32 $0x1  }
0xc1: {  	_ =	sfence.sel $0xFFFF  }
0xc2: {  	[dreg:$0x0] =	wrdreg $0xFFFFFFFF;
	(pc) =	sbr.abs _section_cstart, $3  }
0xc3: {  	[dreg:$0x1] =	wrdreg $0xFFFFFFFF  }
0xc4: {  	_ =	task.clear_ibuf [dreg:s9], $0x2FFFF;
	_ =	strace $0x9FFFFFFF  }
0xc5: {  	(tm) =	ssettm $0x7FFFFFFF  }
tec
execute0_lowered:
.L_overlay_start_1:
0x0: {  	(tag) =	ssettag $0x1  }
0x1: {  	s1 =	rddreg [dreg:$0x0]  }
0x2: {  	s0 =	rddreg [dreg:$0x1]  }
0x3: {  	s6 =	rddreg [dreg:$0x2]  }
0x4: {  	s3 =	simm.s32 $0x0;
	[dreg:$0x4] =	wrdreg s0  }
0x5: {  	s13 =	simm.s32 $0x1000;
	[smem:$0x7FF] =	sst s3  }
0x6: {  	s14 =	simm.s32 $0x1800;
	_ =	strace $0x80000047;
	[dreg:$0x7] =	wrdreg s13  }
0x7: {  	s15 =	simm.s32 $0x2000;
	[dreg:$0x8] =	wrdreg s14  }
0x8: {  	s2 =	srdreg.scid;
	s16 =	simm.s32 $0x2800;
	[dreg:$0x9] =	wrdreg s15  }
0x9: {  	s12 =	stileid.u32;
	s17 =	simm.s32 $0x3000;
	[dreg:$0xa] =	wrdreg s16  }
0xa: {  	s18 =	simm.s32 $0x3800;
	s19 =	simm.s32 $0x4000;
	[dreg:$0xb] =	wrdreg s17  }
0xb: {  	s21 =	simm.s32 $0x4800;
	s22 =	simm.s32 $0x5000;
	[dreg:$0xc] =	wrdreg s18  }
0xc: {  	s23 =	simm.s32 $0x5800;
	s9 =	simm.s32 $0x6000;
	[dreg:$0xd] =	wrdreg s19  }
0xd: {  	s10 =	simm.s32 $0x6800;
	s24 =	simm.s32 $0x7000;
	[dreg:$0xe] =	wrdreg s21  }
0xe: {  	s25 =	simm.s32 $0x7800;
	s11 =	simm.s32 $0x800;
	[dreg:$0xf] =	wrdreg s22  }
0xf: {  	s26 =	simm.s32 $0x8000;
	s28 =	simm.s32 $0x10000;
	[dreg:$0x10] =	wrdreg s23  }
0x10: {  	s29 =	simm.s32 $0x2;
	s30 =	simm.s32 $0x3;
	[dreg:$0x11] =	wrdreg s9  }
0x11: {  	s31 =	simm.s32 $0x4;
	s2 =	sand.u32 $0x1, s2;
	[dreg:$0x12] =	wrdreg s10  }
0x12: {  	s5 =	sshll.u32 s12, $0x6;
	s12 =	simm.s32 $0x8800;
	[dreg:$0x13] =	wrdreg s24  }
0x13: {  	s4 =	sshll.u32 s2, $0xA;
	s2 =	ssub.s32 $0x2, s2;
	[dreg:$0x14] =	wrdreg s25  }
0x14: {  	s10 =	simm.s32 $0x1;
	[dreg:$0x15] =	wrdreg s26;
	s14 =	simm.s32 $0x9800  }
0x15: {  	s15 =	simm.s32 $0xA000;
	s16 =	simm.s32 $0xA800;
	s17 =	simm.s32 $0xB000  }
0x16: {  	s18 =	simm.s32 $0xB800;
	s19 =	simm.s32 $0xC000;
	s21 =	simm.s32 $0xD000  }
0x17: {  	s22 =	simm.s32 $0xD800;
	s23 =	simm.s32 $0xE000;
	s24 =	simm.s32 $0xE800  }
0x18: {  	s25 =	simm.s32 $0xF000;
	s26 =	simm.s32 $0xF800;
	s4 =	sor.u32 s5, s4  }
0x19: {  	s20 =	sshrl.u32 s2, $0x1;
	s5 =	sor.u32 $0x20, s4;
	s7 =	sshll.u32 s4, $0x7  }
0x1a: {  	s2 =	ssub.s32 s2, s20;
	s20 =	simm.s32 $0xC800;
	s7 =	sadd.s32 s6, s7  }
0x1b: {  	v2 =	vlaneseq.u32;
	s8 =	sshll.u32 s5, $0x7;
	s9 =	smax.u32 s2, $0x1;
	s2 =	simm.s32 $0x5  }
0x1c: {  	vm0 =	vmmov $0xffff;
	v1 =	vshrl.u32 v2, $0x3;
	[dreg:$0x5] =	wrdreg s7;
	s6 =	sadd.s32 s6, s8;
	s7 =	sadd.s32 $0x200, s1  }
0x1d: {  	v0 =	vand.u32 $0x7, v2;
	v2 =	vor.u32 $0x8, v2;
	v1 =	vmul.u32 $0x8, v1;
	s8 =	sadd.s32 $0x300, s1;
	[dreg:$0x6] =	wrdreg s6;
	s6 =	sadd.s32 $0x100, s1  }
.LBB2_1:
0x1e: {  	s0 =	rddreg [dreg:$0x4]  }
0x1f: {  	[tilespmem:s3], [sflag:$0x1] =	stream.linear.gather [hbm4b:s0+s3], $0x800, $0x38;
	[tilespmem:$0x10800] =	vst v63  }
0x20: {  	_ =	swait.ge [sflag:s10], $0x800  }
0x21: {  	[sflag:s10] =	ssyncset.done $0x0  }
0x22: {  	[sflag:s10] =	ssyncadd.s32 $0xFFFFF800  }
0x23: {  	v3 =	vld [tilespmem:s4+$0x0];
	_ =	sdelay $0x4  }
0x24: {  	v4 =	vshll.u32 v3, $0x3  }
0x25: {  	v3 =	vand.u32 $0x7, v3;
	v4 =	vand.u32 $0xFFFFFFC0, v4  }
0x26: {  	v3 =	vor.u32 v3, v4  }
0x27: {  	v4 =	vperm.xlane v3, v0;
	_ =	sdelay $0x1  }
0x28: {  	v4 =	vadd.s32 v1, v4;
	_ =	sdelay $0x4  }
0x29: {  	[tilespmem:s11], [sflag:$0x2] =	stream.indirect_vreg.gather [hbm4b:s1+s3], $0x80, v4, vm0, $0xb8;
	[tilespmem:$0x10800] =	vst v63  }
0x2a: {  	s0 =	rddreg [dreg:$0x7];
	v3 =	vperm.xlane v3, v2  }
0x2b: {  	[tilespmem:s0], [sflag:$0x2] =	stream.indirect_vreg.gather [hbm4b:s6+s3], $0x80, v4, vm0, $0xb8;
	[tilespmem:$0x10800] =	vst v63  }
0x2c: {  	s13 =	rddreg [dreg:$0x8];
	v3 =	vadd.s32 v1, v3  }
0x2d: {  	[tilespmem:s13], [sflag:$0x2] =	stream.indirect_vreg.gather [hbm4b:s7+s3], $0x80, v4, vm0, $0xb8;
	[tilespmem:$0x10800] =	vst v63  }
0x2e: {  	s0 =	rddreg [dreg:$0x9]  }
0x2f: {  	[tilespmem:s0], [sflag:$0x2] =	stream.indirect_vreg.gather [hbm4b:s8+s3], $0x80, v4, vm0, $0xb8;
	[tilespmem:$0x10800] =	vst v63  }
0x30: {  	s13 =	rddreg [dreg:$0xa]  }
0x31: {  	[tilespmem:s13], [sflag:$0x2] =	stream.indirect_vreg.gather [hbm4b:s1+s3], $0x80, v3, vm0, $0xb8;
	[tilespmem:$0x10800] =	vst v63  }
0x32: {  	s0 =	rddreg [dreg:$0xb]  }
0x33: {  	[tilespmem:s0], [sflag:$0x2] =	stream.indirect_vreg.gather [hbm4b:s6+s3], $0x80, v3, vm0, $0xb8;
	[tilespmem:$0x10800] =	vst v63  }
0x34: {  	s13 =	rddreg [dreg:$0xc]  }
0x35: {  	[tilespmem:s13], [sflag:$0x2] =	stream.indirect_vreg.gather [hbm4b:s7+s3], $0x80, v3, vm0, $0xb8;
	[tilespmem:$0x10800] =	vst v63  }
0x36: {  	s0 =	rddreg [dreg:$0xd]  }
0x37: {  	[tilespmem:s0], [sflag:$0x2] =	stream.indirect_vreg.gather [hbm4b:s8+s3], $0x80, v3, vm0, $0xb8;
	[tilespmem:$0x10800] =	vst v63  }
0x38: {  	v3 =	vld [tilespmem:s4+$0x10];
	_ =	sdelay $0x4  }
0x39: {  	v61 =	vshll.u32 v3, $0x3  }
0x3a: {  	v3 =	vand.u32 $0x7, v3;
	v4 =	vand.u32 $0xFFFFFFC0, v61  }
0x3b: {  	v3 =	vor.u32 v3, v4  }
0x3c: {  	v4 =	vperm.xlane v3, v0;
	_ =	sdelay $0x1  }
0x3d: {  	v4 =	vadd.s32 v1, v4;
	_ =	sdelay $0x3  }
0x3e: {  	s0 =	rddreg [dreg:$0xe]  }
0x3f: {  	[tilespmem:s0], [sflag:$0x2] =	stream.indirect_vreg.gather [hbm4b:s1+s3], $0x80, v4, vm0, $0xb8;
	[tilespmem:$0x10800] =	vst v63  }
0x40: {  	s13 =	rddreg [dreg:$0xf];
	v3 =	vperm.xlane v3, v2  }
0x41: {  	[tilespmem:s13], [sflag:$0x2] =	stream.indirect_vreg.gather [hbm4b:s6+s3], $0x80, v4, vm0, $0xb8;
	[tilespmem:$0x10800] =	vst v63  }
0x42: {  	v3 =	vadd.s32 v1, v3;
	s0 =	rddreg [dreg:$0x10]  }
0x43: {  	[tilespmem:s0], [sflag:$0x2] =	stream.indirect_vreg.gather [hbm4b:s7+s3], $0x80, v4, vm0, $0xb8;
	[tilespmem:$0x10800] =	vst v63  }
0x44: {  	s13 =	rddreg [dreg:$0x11]  }
0x45: {  	[tilespmem:s13], [sflag:$0x2] =	stream.indirect_vreg.gather [hbm4b:s8+s3], $0x80, v4, vm0, $0xb8;
	[tilespmem:$0x10800] =	vst v63  }
0x46: {  	s0 =	rddreg [dreg:$0x12]  }
0x47: {  	[tilespmem:s0], [sflag:$0x2] =	stream.indirect_vreg.gather [hbm4b:s1+s3], $0x80, v3, vm0, $0xb8;
	[tilespmem:$0x10800] =	vst v63  }
0x48: {  	s13 =	rddreg [dreg:$0x13]  }
0x49: {  	[tilespmem:s13], [sflag:$0x2] =	stream.indirect_vreg.gather [hbm4b:s6+s3], $0x80, v3, vm0, $0xb8;
	[tilespmem:$0x10800] =	vst v63  }
0x4a: {  	s0 =	rddreg [dreg:$0x14]  }
0x4b: {  	[tilespmem:s0], [sflag:$0x2] =	stream.indirect_vreg.gather [hbm4b:s7+s3], $0x80, v3, vm0, $0xb8;
	[tilespmem:$0x10800] =	vst v63  }
0x4c: {  	s13 =	rddreg [dreg:$0x15]  }
0x4d: {  	[tilespmem:s13], [sflag:$0x2] =	stream.indirect_vreg.gather [hbm4b:s8+s3], $0x80, v3, vm0, $0xb8;
	[tilespmem:$0x10800] =	vst v63  }
0x4e: {  	v3 =	vld [tilespmem:s5+$0x0];
	_ =	sdelay $0x4  }
0x4f: {  	v62 =	vshll.u32 v3, $0x3  }
0x50: {  	v3 =	vand.u32 $0x7, v3;
	v4 =	vand.u32 $0xFFFFFFC0, v62  }
0x51: {  	v3 =	vor.u32 v3, v4  }
0x52: {  	v4 =	vperm.xlane v3, v0;
	_ =	sdelay $0x1  }
0x53: {  	v4 =	vadd.s32 v1, v4;
	_ =	sdelay $0x4  }
0x54: {  	[tilespmem:s12], [sflag:$0x3] =	stream.indirect_vreg.gather [hbm4b:s1+s3], $0x80, v4, vm0, $0xb8;
	[tilespmem:$0x10800] =	vst v63  }
0x55: {  	s13 =	simm.s32 $0x9000;
	v3 =	vperm.xlane v3, v2  }
0x56: {  	[tilespmem:s13], [sflag:$0x3] =	stream.indirect_vreg.gather [hbm4b:s6+s3], $0x80, v4, vm0, $0xb8;
	[tilespmem:$0x10800] =	vst v63  }
0x57: {  	v3 =	vadd.s32 v1, v3  }
0x58: {  	[tilespmem:s14], [sflag:$0x3] =	stream.indirect_vreg.gather [hbm4b:s7+s3], $0x80, v4, vm0, $0xb8;
	[tilespmem:$0x10800] =	vst v63  }
0x59: {  	_ = 	snop  }
0x5a: {  	[tilespmem:s15], [sflag:$0x3] =	stream.indirect_vreg.gather [hbm4b:s8+s3], $0x80, v4, vm0, $0xb8;
	[tilespmem:$0x10800] =	vst v63  }
0x5b: {  	_ = 	snop  }
0x5c: {  	[tilespmem:s16], [sflag:$0x3] =	stream.indirect_vreg.gather [hbm4b:s1+s3], $0x80, v3, vm0, $0xb8;
	[tilespmem:$0x10800] =	vst v63  }
0x5d: {  	_ = 	snop  }
0x5e: {  	[tilespmem:s17], [sflag:$0x3] =	stream.indirect_vreg.gather [hbm4b:s6+s3], $0x80, v3, vm0, $0xb8;
	[tilespmem:$0x10800] =	vst v63  }
0x5f: {  	_ = 	snop  }
0x60: {  	[tilespmem:s18], [sflag:$0x3] =	stream.indirect_vreg.gather [hbm4b:s7+s3], $0x80, v3, vm0, $0xb8;
	[tilespmem:$0x10800] =	vst v63  }
0x61: {  	_ = 	snop  }
0x62: {  	[tilespmem:s19], [sflag:$0x3] =	stream.indirect_vreg.gather [hbm4b:s8+s3], $0x80, v3, vm0, $0xb8;
	[tilespmem:$0x10800] =	vst v63  }
0x63: {  	v3 =	vld [tilespmem:s5+$0x10];
	_ =	sdelay $0x4  }
0x64: {  	v63 =	vshll.u32 v3, $0x3  }
0x65: {  	v3 =	vand.u32 $0x7, v3;
	v4 =	vand.u32 $0xFFFFFFC0, v63  }
0x66: {  	v3 =	vor.u32 v3, v4  }
0x67: {  	v4 =	vperm.xlane v3, v0;
	_ =	sdelay $0x1  }
0x68: {  	v4 =	vadd.s32 v1, v4;
	_ =	sdelay $0x4  }
0x69: {  	[tilespmem:s20], [sflag:$0x3] =	stream.indirect_vreg.gather [hbm4b:s1+s3], $0x80, v4, vm0, $0xb8;
	[tilespmem:$0x10800] =	vst v63  }
0x6a: {  	v3 =	vperm.xlane v3, v2  }
0x6b: {  	[tilespmem:s21], [sflag:$0x3] =	stream.indirect_vreg.gather [hbm4b:s6+s3], $0x80, v4, vm0, $0xb8;
	[tilespmem:$0x10800] =	vst v63  }
0x6c: {  	v3 =	vadd.s32 v1, v3  }
0x6d: {  	[tilespmem:s22], [sflag:$0x3] =	stream.indirect_vreg.gather [hbm4b:s7+s3], $0x80, v4, vm0, $0xb8;
	[tilespmem:$0x10800] =	vst v63  }
0x6e: {  	_ = 	snop  }
0x6f: {  	[tilespmem:s23], [sflag:$0x3] =	stream.indirect_vreg.gather [hbm4b:s8+s3], $0x80, v4, vm0, $0xb8;
	[tilespmem:$0x10800] =	vst v63  }
0x70: {  	_ = 	snop  }
0x71: {  	[tilespmem:s24], [sflag:$0x3] =	stream.indirect_vreg.gather [hbm4b:s1+s3], $0x80, v3, vm0, $0xb8;
	[tilespmem:$0x10800] =	vst v63  }
0x72: {  	_ = 	snop  }
0x73: {  	[tilespmem:s25], [sflag:$0x3] =	stream.indirect_vreg.gather [hbm4b:s6+s3], $0x80, v3, vm0, $0xb8;
	[tilespmem:$0x10800] =	vst v63  }
0x74: {  	_ = 	snop  }
0x75: {  	[tilespmem:s26], [sflag:$0x3] =	stream.indirect_vreg.gather [hbm4b:s7+s3], $0x80, v3, vm0, $0xb8;
	[tilespmem:$0x10800] =	vst v63  }
0x76: {  	_ = 	snop  }
0x77: {  	[tilespmem:s28], [sflag:$0x3] =	stream.indirect_vreg.gather [hbm4b:s8+s3], $0x80, v3, vm0, $0xb8;
	[tilespmem:$0x10800] =	vst v63  }
0x78: {  	_ =	swait.ge [sflag:s29], $0x8000  }
0x79: {  	[sflag:s29] =	ssyncset.done $0x0  }
0x7a: {  	s13 =	rddreg [dreg:$0x5];
	[sflag:s29] =	ssyncadd.s32 $0xFFFF8000  }
0x7b: {  	[hbm4b:s13+s3] =	stream.linear.scatter [tilespmem:s11], [sflag:$0x4], $0x8000, $0x38;
	[tilespmem:$0x10800] =	vst v63  }
0x7c: {  	_ =	swait.ge [sflag:s30], $0x8000  }
0x7d: {  	[sflag:s30] =	ssyncset.done $0x0  }
0x7e: {  	s13 =	rddreg [dreg:$0x6];
	[sflag:s30] =	ssyncadd.s32 $0xFFFF8000  }
0x7f: {  	[hbm4b:s13+s3] =	stream.linear.scatter [tilespmem:s12], [sflag:$0x5], $0x8000, $0x38;
	[tilespmem:$0x10800] =	vst v63  }
0x80: {  	p0 =	sne.s32 s9, $0x1;
	_ =	swait.ge [sflag:s31], $0x8000  }
.Ltmp0:
0x81: {  	[sflag:s31] =	ssyncset.done $0x0;
	(pc) =	sbr.rel @p0 .LBB2_1-.Ltmp0, $4  }
0x82: {  	[sflag:s31] =	ssyncadd.s32 $0xFFFF8000  }
0x83: {  	_ =	swait.ge [sflag:s2], $0x8000  }
0x84: {  	[sflag:s2] =	ssyncset.done $0x0  }
0x85: {  	s9 =	sadd.s32 $0xFFFFFFFF, s9;
	[sflag:s2] =	ssyncadd.s32 $0xFFFF8000  }
0x86: {  	_ =	sfence.sel $0x180000  }
0x87: {  	[bflag:$0x0] =	sbarrier.arrive $0xFFFF  }
0x88: {  	_ =	strace $0x90000047  }
0x89: {  	s0 =	stileid.u32;
	[bflag:$0x2] =	sbarrier.arrive $0xFFFF  }
0x8a: {  	p0 =	sne.s32 s0, $0x0;
	s0 =	rddreg [dreg:$0x3]  }
0x8b: {  	s0 =	sadd.s32 @!p0 $0x100000, s0  }
0x8c: {  	[sflag:s0] =	ssyncadd.tile.s32 @!p0 $0x1;
	_ =	shalt  }
.Lfunc_end2:
_tile_overlayer_lowered:
.L_overlay_start_2:
0x8d: {  	(tag) =	ssettag $0x2  }
0x8e: {  	s0 =	rddreg [dreg:$0x0];
	s2 =	stileid.u32  }
0x8f: {  	s1 =	rddreg [dreg:$0x1];
	p0 =	sne.s32 s2, $0x0  }
0x90: {  	s3 =	rddreg [dreg:$0x2];
	[bflag:$0x3] =	sbarrier.arrive $0xFFFF;
	s2 =	simm.s32 @!p0 $0x1C06  }
0x91: {  	[timem:s3], [sflag:s2] =	dma.local @!p0 [hbm:s0], s1  }
0x92: {  	s0 =	simm.s32 @!p0 $0x6  }
0x93: {  	_ =	swait.ge @!p0 [sflag:s0], s1  }
0x94: {  	s1 =	ssub.s32 @!p0 $0x0, s1;
	[sflag:s0] =	ssyncset.done @!p0 $0x0  }
0x95: {  	[sflag:s0] =	ssyncadd.s32 @!p0 s1  }
0x96: {  	[bflag:$0x3] =	sbarrier.arrive $0xFFFF  }
0x97: {  	_ =	shalt  }

</sc_bundles>
